<compile_context>
chip_gen: v7x
topology: tpu7x:2x2x1
jax: 0.10.2.dev20260603
libtpu: 0.0.44.dev20260713+nightly
codegen_flags: <defaults>
</compile_context>

<pallas_src>
import math

import jax
import jax.numpy as jnp
from jax.experimental import pallas as pl
from jax.experimental.pallas import tpu as pltpu

U = 64
B = 128
SIG = 64
RULE = 64
CELLS = U * B
SUPPORT_MIN = 1e-4
PRIOR_MIN_POP = 4.0
PRIOR_SOFT_CAP = 0.75
USAGE_SCALE = 0.5
CONF_SCALE = 0.5
SIG_SCALE = 1.0
RET_TEMP = 1.0
SPARSE_BOOST = 1.0
LOG_FLOOR = math.log(1e-6)

T = 128


def _body(qu_ref, qb_ref, qs_ref, sigT_ref, drF_ref, spF_ref, sup_ref, conf_ref,
          dr_out, sig_out, conf_out, w_out, tw_out):
    f32 = jnp.float32

    sup = sup_ref[:]
    conf = conf_ref[:]
    valid = (sup > SUPPORT_MIN).astype(f32)

    occupied = jnp.sum(valid, keepdims=True)
    pop_scale = jnp.clip(occupied / PRIOR_MIN_POP, 0.0, 1.0)
    sp_raw = jnp.log1p(sup)
    sp = sp_raw / jnp.maximum(jnp.max(sp_raw, keepdims=True), 1.0)
    sp = jnp.clip(sp * pop_scale, 0.0, PRIOR_SOFT_CAP)
    cp = conf / jnp.maximum(jnp.max(conf, keepdims=True), 1e-6)
    cp = jnp.clip(cp * pop_scale, 0.0, PRIOR_SOFT_CAP)
    prior = USAGE_SCALE * sp + CONF_SCALE * cp
    eff_temp = RET_TEMP * (1.0 + SPARSE_BOOST * (1.0 - pop_scale))
    inv_temp = 1.0 / jnp.maximum(eff_temp, 1e-6)

    se = sigT_ref[:] + 1e-6
    sn = se / jnp.maximum(
        jnp.sqrt(jnp.sum(se * se, axis=0, keepdims=True)), 1e-12)

    qs = qs_ref[:]
    qsn = qs / jnp.maximum(
        jnp.sqrt(jnp.sum(qs * qs, axis=1, keepdims=True)), 1e-12)
    sig_score = 0.5 * (1.0 + jnp.dot(qsn, sn, preferred_element_type=f32))

    lqu = jnp.log(jnp.maximum(qu_ref[:], 1e-6))
    lqb = jnp.log(jnp.maximum(qb_ref[:], 1e-6))
    strips = [lqu[:, u:u + 1] + lqb for u in range(U)]
    jl = jnp.maximum(jnp.concatenate(strips, axis=1), LOG_FLOOR)

    logits = jl + prior + SIG_SCALE * sig_score
    z = jnp.where(valid > 0, logits, -1e9) * inv_temp
    m = jnp.max(z, axis=1, keepdims=True)
    e = jnp.exp(z - m)
    w_pre = e / jnp.sum(e, axis=1, keepdims=True)
    wv = w_pre * valid
    w = wv / jnp.maximum(jnp.sum(wv, axis=1, keepdims=True), 1e-6)

    w_out[:] = w
    dr_out[:] = jnp.dot(w, drF_ref[:], preferred_element_type=f32)
    sig_out[:] = jnp.dot(w, spF_ref[:], preferred_element_type=f32)

    tw = jnp.max(w, axis=1, keepdims=True)
    iota = jax.lax.broadcasted_iota(jnp.int32, (1, CELLS), 1)
    ti = jnp.min(jnp.where(w == tw, iota, CELLS), axis=1, keepdims=True)
    onehot = (iota == ti).astype(f32)
    top_conf = jnp.sum(onehot * cp, axis=1, keepdims=True)
    top_sig = jnp.sum(onehot * sig_score, axis=1, keepdims=True)
    tw_out[:] = tw
    conf_out[:] = jnp.clip(tw * top_conf * top_sig * pop_scale, 0.0, 1.0)


@jax.jit
def kernel(q_u, q_b, q_sigma, delta_rule_proto, signature_proto, support_ema, ema_conf):
    lead = q_u.shape[:-1]
    n = 1
    for d in lead:
        n *= d
    qu2 = q_u.reshape(n, U)
    qb2 = q_b.reshape(n, B)
    qs2 = q_sigma.reshape(n, SIG)
    sigT = signature_proto.reshape(CELLS, SIG).T
    drF = delta_rule_proto.reshape(CELLS, RULE)
    spF = signature_proto.reshape(CELLS, SIG)
    supF = support_ema.reshape(1, CELLS)
    confF = ema_conf.reshape(1, CELLS)

    grid = (n // T,)
    full = lambda shape: pl.BlockSpec(shape, lambda i: (0, 0))
    tok = lambda width: pl.BlockSpec((T, width), lambda i: (i, 0))

    dr, sig, mconf, w, tw = pl.pallas_call(
        _body,
        grid=grid,
        in_specs=[
            tok(U), tok(B), tok(SIG),
            full((SIG, CELLS)), full((CELLS, RULE)), full((CELLS, SIG)),
            full((1, CELLS)), full((1, CELLS)),
        ],
        out_specs=[tok(RULE), tok(SIG), tok(1), tok(CELLS), tok(1)],
        out_shape=[
            jax.ShapeDtypeStruct((n, RULE), jnp.float32),
            jax.ShapeDtypeStruct((n, SIG), jnp.float32),
            jax.ShapeDtypeStruct((n, 1), jnp.float32),
            jax.ShapeDtypeStruct((n, CELLS), jnp.float32),
            jax.ShapeDtypeStruct((n, 1), jnp.float32),
        ],
        compiler_params=pltpu.CompilerParams(
            dimension_semantics=("parallel",)),
    )(qu2, qb2, qs2, sigT, drF, spF, supF, confF)

    return (
        dr.reshape(lead + (RULE,)),
        sig.reshape(lead + (SIG,)),
        mconf.reshape(lead + (1,)),
        w.reshape(lead + (U, B)),
        tw.reshape(lead + (1,)),
    )

# --- scband reference (transcript-rebuilt; emitter-appended) ---
"""Pipeline reference for scband-rule-memory-29738353558212 (READ-ONLY COPY).

The authoritative reference and input builder live on the scoring server;
editing this copy changes nothing except your own understanding.
"""

import jax, jax.numpy as jnp
import numpy as np

U = 64
B = 128
SIG = 64
RULE = 64
SUPPORT_MIN = 1e-4
PRIOR_MIN_POP = 4.0
PRIOR_SOFT_CAP = 0.75
USAGE_SCALE = 0.5
CONF_SCALE = 0.5
SIG_SCALE = 1.0
RET_TEMP = 1.0
SPARSE_BOOST = 1.0


def _l2norm(x, eps=1e-12):
    n = jnp.linalg.norm(x, axis=-1, keepdims=True)
    return x / jnp.maximum(n, eps)


def setup_inputs(seed: int = 0):
    key = jax.random.key(seed)
    ks = jax.random.split(key, 7)
    q_u = jax.random.uniform(ks[0], (2, 2048, U), dtype=jnp.float32)
    q_b = jax.random.uniform(ks[1], (2, 2048, B), dtype=jnp.float32)
    q_sigma = jax.random.normal(ks[2], (2, 2048, SIG), dtype=jnp.float32)
    # module buffers, materialized with non-degenerate values so cells are occupied
    delta_rule_proto = jax.random.normal(ks[3], (U, B, RULE), dtype=jnp.float32)
    signature_proto = jax.random.normal(ks[4], (U, B, SIG), dtype=jnp.float32)
    support_ema = jax.random.uniform(ks[5], (U, B), dtype=jnp.float32)
    ema_conf = jax.random.uniform(ks[6], (U, B), dtype=jnp.float32)
    return {
        'q_u': q_u,
        'q_b': q_b,
        'q_sigma': q_sigma,
        'delta_rule_proto': delta_rule_proto,
        'signature_proto': signature_proto,
        'support_ema': support_ema,
        'ema_conf': ema_conf,
    }


def reference(q_u, q_b, q_sigma, delta_rule_proto, signature_proto, support_ema, ema_conf):
    joint = q_u[..., :, None] * q_b[..., None, :]  # [..., U, B]
    valid = (support_ema > SUPPORT_MIN).astype(joint.dtype)
    joint_logit = jnp.log(jnp.maximum(joint, 1e-6))
    occupied_count = valid.sum()
    pop_scale = jnp.clip(occupied_count / max(1.0, PRIOR_MIN_POP), 0.0, 1.0)
    support_prior = jnp.log1p(support_ema)
    support_prior = support_prior / jnp.maximum(support_prior.max(), 1.0)
    support_prior = jnp.clip(support_prior * pop_scale, 0.0, PRIOR_SOFT_CAP)
    conf_prior = ema_conf / jnp.maximum(ema_conf.max(), 1e-6)
    conf_prior = jnp.clip(conf_prior * pop_scale, 0.0, PRIOR_SOFT_CAP)
    signature_score = jnp.einsum('...s,ubs->...ub', _l2norm(q_sigma), _l2norm(signature_proto + 1e-6))
    signature_score = 0.5 * (1.0 + signature_score)
    logits = joint_logit + USAGE_SCALE * support_prior + CONF_SCALE * conf_prior + SIG_SCALE * signature_score
    lead = joint.shape[:-2]
    flat_logits = logits.reshape(lead + (-1,))
    flat_valid = jnp.broadcast_to(valid.reshape((1,) * len(lead) + (-1,)), flat_logits.shape)
    masked_logits = jnp.where(flat_valid > 0, flat_logits, jnp.full_like(flat_logits, -1e9))
    eff_temp = RET_TEMP * (1.0 + SPARSE_BOOST * (1.0 - pop_scale))
    flat_weights = jax.nn.softmax(masked_logits / jnp.maximum(eff_temp, 1e-6), axis=-1)
    flat_weights = flat_weights * flat_valid
    flat_weights = flat_weights / jnp.maximum(flat_weights.sum(axis=-1, keepdims=True), 1e-6)
    weights = flat_weights.reshape(joint.shape)
    memory_delta_rule = jnp.einsum('...ub,ubr->...r', weights, delta_rule_proto)
    memory_signature = jnp.einsum('...ub,ubs->...s', weights, signature_proto)
    flat_signature = signature_score.reshape(flat_logits.shape)
    flat_conf = jnp.broadcast_to(conf_prior.reshape((1,) * len(lead) + (-1,)), flat_logits.shape)
    top_weight = jnp.max(flat_weights, axis=-1, keepdims=True)
    top_index = jnp.argmax(flat_weights, axis=-1)[..., None]
    top_conf = jnp.take_along_axis(flat_conf, top_index, axis=-1)
    top_signature = jnp.take_along_axis(flat_signature, top_index, axis=-1)
    memory_conf = jnp.clip(top_weight * top_conf * top_signature * pop_scale, 0.0, 1.0)
    return (memory_delta_rule, memory_signature, memory_conf, weights, top_weight)

if __name__ == "__main__":
    import jax
    _d = setup_inputs()
    print(jax.jit(kernel)(*tuple(_d.values())))

</pallas_src>

<mosaic_0001>
module attributes {stable_mosaic.version = 14 : i64} {
  func.func @_body(%arg0: i32, %arg1: memref<128x64xf32, #tpu.memory_space<vmem>>, %arg2: memref<128x128xf32, #tpu.memory_space<vmem>>, %arg3: memref<128x64xf32, #tpu.memory_space<vmem>>, %arg4: memref<64x8192xf32, #tpu.memory_space<vmem>>, %arg5: memref<8192x64xf32, #tpu.memory_space<vmem>>, %arg6: memref<8192x64xf32, #tpu.memory_space<vmem>>, %arg7: memref<1x8192xf32, #tpu.memory_space<vmem>>, %arg8: memref<1x8192xf32, #tpu.memory_space<vmem>>, %arg9: memref<128x64xf32, #tpu.memory_space<vmem>>, %arg10: memref<128x64xf32, #tpu.memory_space<vmem>>, %arg11: memref<128x1xf32, #tpu.memory_space<vmem>>, %arg12: memref<128x8192xf32, #tpu.memory_space<vmem>>, %arg13: memref<128x1xf32, #tpu.memory_space<vmem>>) attributes {dimension_semantics = [#tpu.dimension_semantics<parallel>], iteration_bounds = array<i64: 32>, scalar_prefetch = 0 : i64, scratch_operands = 0 : i64, tpu.core_type = #tpu.core_type<tc>, window_params = [{transform_indices = @transform_0, window_bounds = array<i64: 128, 64>}, {transform_indices = @transform_1, window_bounds = array<i64: 128, 128>}, {transform_indices = @transform_2, window_bounds = array<i64: 128, 64>}, {pipeline_mode = #tpu.pipeline_mode<synchronous>, transform_indices = @transform_3, window_bounds = array<i64: 64, 8192>}, {pipeline_mode = #tpu.pipeline_mode<synchronous>, transform_indices = @transform_4, window_bounds = array<i64: 8192, 64>}, {pipeline_mode = #tpu.pipeline_mode<synchronous>, transform_indices = @transform_5, window_bounds = array<i64: 8192, 64>}, {pipeline_mode = #tpu.pipeline_mode<synchronous>, transform_indices = @transform_6, window_bounds = array<i64: 1, 8192>}, {pipeline_mode = #tpu.pipeline_mode<synchronous>, transform_indices = @transform_7, window_bounds = array<i64: 1, 8192>}, {transform_indices = @transform_8, window_bounds = array<i64: 128, 64>}, {transform_indices = @transform_9, window_bounds = array<i64: 128, 64>}, {transform_indices = @transform_10, window_bounds = array<i64: 128, 1>}, {transform_indices = @transform_11, window_bounds = array<i64: 128, 8192>}, {transform_indices = @transform_12, window_bounds = array<i64: 128, 1>}]} {
    %get3A = arith.constant 0 : index
    %get3A_0 = arith.constant 0 : index
    %get3A_1 = vector.load %arg7[%get3A, %get3A_0] : memref<1x8192xf32, #tpu.memory_space<vmem>>, vector<1x8192xf32>
    %get3A_2 = arith.constant 0 : index
    %get3A_3 = arith.constant 0 : index
    %get3A_4 = vector.load %arg8[%get3A_2, %get3A_3] : memref<1x8192xf32, #tpu.memory_space<vmem>>, vector<1x8192xf32>
    %gt3A = arith.constant 9.99999974E-5 : f32
    %gt3A_5 = vector.broadcast %gt3A : f32 to vector<1x8192xf32>
    %gt3A_6 = arith.cmpf ogt, %get3A_1, %gt3A_5 : vector<1x8192xf32>
    %convert_element_type3A = arith.extui %gt3A_6 : vector<1x8192xi1> to vector<1x8192xi32>
    %convert_element_type3A_7 = arith.sitofp %convert_element_type3A : vector<1x8192xi32> to vector<1x8192xf32>
    %reduce_sum3A = vector.shape_cast %convert_element_type3A_7 : vector<1x8192xf32> to vector<1x1x8192xf32>
    %reduce_sum3A_8 = arith.constant dense<0.000000e+00> : vector<1xf32>
    %reduce_sum3A_9 = vector.multi_reduction <add>, %reduce_sum3A, %reduce_sum3A_8 [1, 2] : vector<1x1x8192xf32> to vector<1xf32>
    %reduce_sum3A_10 = vector.shape_cast %reduce_sum3A_9 : vector<1xf32> to vector<1x1x1xf32>
    %reduce_sum3A_11 = vector.extract %reduce_sum3A_10[0, 0, 0] : f32 from vector<1x1x1xf32>
    %broadcast_in_dim3A = vector.broadcast %reduce_sum3A_11 : f32 to vector<1x1xf32>
    %div3A = arith.constant 4.000000e+00 : f32
    %div3A_12 = vector.broadcast %div3A : f32 to vector<1x1xf32>
    %div3A_13 = arith.divf %broadcast_in_dim3A, %div3A_12 : vector<1x1xf32>
    %jit3A = arith.constant 0.000000e+00 : f32
    %jit3A_14 = arith.constant 1.000000e+00 : f32
    %max3A = vector.broadcast %jit3A : f32 to vector<1x1xf32>
    %max3A_15 = arith.maximumf %max3A, %div3A_13 : vector<1x1xf32>
    %min3A = vector.broadcast %jit3A_14 : f32 to vector<1x1xf32>
    %min3A_16 = arith.minimumf %min3A, %max3A_15 : vector<1x1xf32>
    %log1p3A = math.log1p %get3A_1 : vector<1x8192xf32>
    %reduce_max3A = vector.shape_cast %log1p3A : vector<1x8192xf32> to vector<1x1x8192xf32>
    %reduce_max3A_17 = arith.constant dense<0xFF800000> : vector<1xf32>
    %reduce_max3A_18 = vector.multi_reduction <maximumf>, %reduce_max3A, %reduce_max3A_17 [1, 2] : vector<1x1x8192xf32> to vector<1xf32>
    %reduce_max3A_19 = vector.shape_cast %reduce_max3A_18 : vector<1xf32> to vector<1x1x1xf32>
    %reduce_max3A_20 = vector.extract %reduce_max3A_19[0, 0, 0] : f32 from vector<1x1x1xf32>
    %broadcast_in_dim3A_21 = vector.broadcast %reduce_max3A_20 : f32 to vector<1x1xf32>
    %max3A_22 = arith.constant 1.000000e+00 : f32
    %max3A_23 = vector.broadcast %max3A_22 : f32 to vector<1x1xf32>
    %max3A_24 = arith.maximumf %broadcast_in_dim3A_21, %max3A_23 : vector<1x1xf32>
    %div3A_25 = vector.broadcast %max3A_24 : vector<1x1xf32> to vector<1x8192xf32>
    %div3A_26 = arith.divf %log1p3A, %div3A_25 : vector<1x8192xf32>
    %mul3A = vector.broadcast %min3A_16 : vector<1x1xf32> to vector<1x8192xf32>
    %mul3A_27 = arith.mulf %div3A_26, %mul3A : vector<1x8192xf32>
    %jit3A_28 = arith.constant 0.000000e+00 : f32
    %jit3A_29 = arith.constant 7.500000e-01 : f32
    %max3A_30 = vector.broadcast %jit3A_28 : f32 to vector<1x8192xf32>
    %max3A_31 = arith.maximumf %max3A_30, %mul3A_27 : vector<1x8192xf32>
    %min3A_32 = vector.broadcast %jit3A_29 : f32 to vector<1x8192xf32>
    %min3A_33 = arith.minimumf %min3A_32, %max3A_31 : vector<1x8192xf32>
    %reduce_max3A_34 = vector.shape_cast %get3A_4 : vector<1x8192xf32> to vector<1x1x8192xf32>
    %reduce_max3A_35 = arith.constant dense<0xFF800000> : vector<1xf32>
    %reduce_max3A_36 = vector.multi_reduction <maximumf>, %reduce_max3A_34, %reduce_max3A_35 [1, 2] : vector<1x1x8192xf32> to vector<1xf32>
    %reduce_max3A_37 = vector.shape_cast %reduce_max3A_36 : vector<1xf32> to vector<1x1x1xf32>
    %reduce_max3A_38 = vector.extract %reduce_max3A_37[0, 0, 0] : f32 from vector<1x1x1xf32>
    %broadcast_in_dim3A_39 = vector.broadcast %reduce_max3A_38 : f32 to vector<1x1xf32>
    %max3A_40 = arith.constant 9.99999997E-7 : f32
    %max3A_41 = vector.broadcast %max3A_40 : f32 to vector<1x1xf32>
    %max3A_42 = arith.maximumf %broadcast_in_dim3A_39, %max3A_41 : vector<1x1xf32>
    %div3A_43 = vector.broadcast %max3A_42 : vector<1x1xf32> to vector<1x8192xf32>
    %div3A_44 = arith.divf %get3A_4, %div3A_43 : vector<1x8192xf32>
    %mul3A_45 = vector.broadcast %min3A_16 : vector<1x1xf32> to vector<1x8192xf32>
    %mul3A_46 = arith.mulf %div3A_44, %mul3A_45 : vector<1x8192xf32>
    %jit3A_47 = arith.constant 0.000000e+00 : f32
    %jit3A_48 = arith.constant 7.500000e-01 : f32
    %max3A_49 = vector.broadcast %jit3A_47 : f32 to vector<1x8192xf32>
    %max3A_50 = arith.maximumf %max3A_49, %mul3A_46 : vector<1x8192xf32>
    %min3A_51 = vector.broadcast %jit3A_48 : f32 to vector<1x8192xf32>
    %min3A_52 = arith.minimumf %min3A_51, %max3A_50 : vector<1x8192xf32>
    %mul3A_53 = arith.constant 5.000000e-01 : f32
    %mul3A_54 = vector.broadcast %mul3A_53 : f32 to vector<1x8192xf32>
    %mul3A_55 = arith.mulf %mul3A_54, %min3A_33 : vector<1x8192xf32>
    %mul3A_56 = arith.constant 5.000000e-01 : f32
    %mul3A_57 = vector.broadcast %mul3A_56 : f32 to vector<1x8192xf32>
    %mul3A_58 = arith.mulf %mul3A_57, %min3A_52 : vector<1x8192xf32>
    %add3A = arith.addf %mul3A_55, %mul3A_58 : vector<1x8192xf32>
    %sub3A = arith.constant 1.000000e+00 : f32
    %sub3A_59 = vector.broadcast %sub3A : f32 to vector<1x1xf32>
    %sub3A_60 = arith.subf %sub3A_59, %min3A_16 : vector<1x1xf32>
    %mul3A_61 = arith.constant 1.000000e+00 : f32
    %mul3A_62 = vector.broadcast %mul3A_61 : f32 to vector<1x1xf32>
    %mul3A_63 = arith.mulf %mul3A_62, %sub3A_60 : vector<1x1xf32>
    %add3A_64 = arith.constant 1.000000e+00 : f32
    %add3A_65 = vector.broadcast %add3A_64 : f32 to vector<1x1xf32>
    %add3A_66 = arith.addf %add3A_65, %mul3A_63 : vector<1x1xf32>
    %mul3A_67 = arith.constant 1.000000e+00 : f32
    %mul3A_68 = vector.broadcast %mul3A_67 : f32 to vector<1x1xf32>
    %mul3A_69 = arith.mulf %mul3A_68, %add3A_66 : vector<1x1xf32>
    %max3A_70 = arith.constant 9.99999997E-7 : f32
    %max3A_71 = vector.broadcast %max3A_70 : f32 to vector<1x1xf32>
    %max3A_72 = arith.maximumf %mul3A_69, %max3A_71 : vector<1x1xf32>
    %div3A_73 = arith.constant 1.000000e+00 : f32
    %div3A_74 = vector.broadcast %div3A_73 : f32 to vector<1x1xf32>
    %div3A_75 = arith.divf %div3A_74, %max3A_72 : vector<1x1xf32>
    %get3A_76 = arith.constant 0 : index
    %get3A_77 = arith.constant 0 : index
    %get3A_78 = vector.load %arg4[%get3A_76, %get3A_77] : memref<64x8192xf32, #tpu.memory_space<vmem>>, vector<64x8192xf32>
    %add3A_79 = arith.constant 9.99999997E-7 : f32
    %add3A_80 = vector.broadcast %add3A_79 : f32 to vector<64x8192xf32>
    %add3A_81 = arith.addf %get3A_78, %add3A_80 : vector<64x8192xf32>
    %mul3A_82 = arith.mulf %add3A_81, %add3A_81 : vector<64x8192xf32>
    %reduce_sum3A_83 = arith.constant dense<0.000000e+00> : vector<8192xf32>
    %reduce_sum3A_84 = vector.multi_reduction <add>, %mul3A_82, %reduce_sum3A_83 [0] : vector<64x8192xf32> to vector<8192xf32>
    %broadcast_in_dim3A_85 = vector.shape_cast %reduce_sum3A_84 : vector<8192xf32> to vector<1x8192xf32>
    %sqrt3A = math.sqrt %broadcast_in_dim3A_85 : vector<1x8192xf32>
    %max3A_86 = arith.constant 9.99999996E-13 : f32
    %max3A_87 = vector.broadcast %max3A_86 : f32 to vector<1x8192xf32>
    %max3A_88 = arith.maximumf %sqrt3A, %max3A_87 : vector<1x8192xf32>
    %div3A_89 = vector.broadcast %max3A_88 : vector<1x8192xf32> to vector<64x8192xf32>
    %div3A_90 = arith.divf %add3A_81, %div3A_89 : vector<64x8192xf32>
    %get3A_91 = arith.constant 0 : index
    %get3A_92 = arith.constant 0 : index
    %get3A_93 = vector.load %arg3[%get3A_91, %get3A_92] : memref<128x64xf32, #tpu.memory_space<vmem>>, vector<128x64xf32>
    %mul3A_94 = arith.mulf %get3A_93, %get3A_93 : vector<128x64xf32>
    %reduce_sum3A_95 = arith.constant dense<0.000000e+00> : vector<128xf32>
    %reduce_sum3A_96 = vector.multi_reduction <add>, %mul3A_94, %reduce_sum3A_95 [1] : vector<128x64xf32> to vector<128xf32>
    %broadcast_in_dim3A_97 = vector.shape_cast %reduce_sum3A_96 : vector<128xf32> to vector<128x1xf32>
    %sqrt3A_98 = math.sqrt %broadcast_in_dim3A_97 : vector<128x1xf32>
    %max3A_99 = arith.constant 9.99999996E-13 : f32
    %max3A_100 = vector.broadcast %max3A_99 : f32 to vector<128x1xf32>
    %max3A_101 = arith.maximumf %sqrt3A_98, %max3A_100 : vector<128x1xf32>
    %div3A_102 = vector.broadcast %max3A_101 : vector<128x1xf32> to vector<128x64xf32>
    %div3A_103 = arith.divf %get3A_93, %div3A_102 : vector<128x64xf32>
    %dot_general3A = arith.constant dense<0.000000e+00> : vector<128x8192xf32>
    %dot_general3A_104 = tpu.matmul %div3A_103, %div3A_90, %dot_general3A {dimension_numbers = #tpu.dot_dimension_numbers<[1], [0], [0], [1], [0, 0, 1, 1], [], []>, transpose_lhs_hint = false} : vector<128x64xf32>, vector<64x8192xf32>, vector<128x8192xf32> -> vector<128x8192xf32>
    %add3A_105 = arith.constant 1.000000e+00 : f32
    %add3A_106 = vector.broadcast %add3A_105 : f32 to vector<128x8192xf32>
    %add3A_107 = arith.addf %add3A_106, %dot_general3A_104 : vector<128x8192xf32>
    %mul3A_108 = arith.constant 5.000000e-01 : f32
    %mul3A_109 = vector.broadcast %mul3A_108 : f32 to vector<128x8192xf32>
    %mul3A_110 = arith.mulf %mul3A_109, %add3A_107 : vector<128x8192xf32>
    %get3A_111 = arith.constant 0 : index
    %get3A_112 = arith.constant 0 : index
    %get3A_113 = vector.load %arg1[%get3A_111, %get3A_112] : memref<128x64xf32, #tpu.memory_space<vmem>>, vector<128x64xf32>
    %max3A_114 = arith.constant 9.99999997E-7 : f32
    %max3A_115 = vector.broadcast %max3A_114 : f32 to vector<128x64xf32>
    %max3A_116 = arith.maximumf %get3A_113, %max3A_115 : vector<128x64xf32>
    %log3A = math.log %max3A_116 : vector<128x64xf32>
    %get3A_117 = arith.constant 0 : index
    %get3A_118 = arith.constant 0 : index
    %get3A_119 = vector.load %arg2[%get3A_117, %get3A_118] : memref<128x128xf32, #tpu.memory_space<vmem>>, vector<128x128xf32>
    %max3A_120 = arith.constant 9.99999997E-7 : f32
    %max3A_121 = vector.broadcast %max3A_120 : f32 to vector<128x128xf32>
    %max3A_122 = arith.maximumf %get3A_119, %max3A_121 : vector<128x128xf32>
    %log3A_123 = math.log %max3A_122 : vector<128x128xf32>
    %slice3A = vector.extract_strided_slice %log3A {offsets = [0, 0], sizes = [128, 1], strides = [1, 1]} : vector<128x64xf32> to vector<128x1xf32>
    %add3A_124 = vector.broadcast %slice3A : vector<128x1xf32> to vector<128x128xf32>
    %add3A_125 = arith.addf %add3A_124, %log3A_123 : vector<128x128xf32>
    %slice3A_126 = vector.extract_strided_slice %log3A {offsets = [0, 1], sizes = [128, 1], strides = [1, 1]} : vector<128x64xf32> to vector<128x1xf32>
    %add3A_127 = vector.broadcast %slice3A_126 : vector<128x1xf32> to vector<128x128xf32>
    %add3A_128 = arith.addf %add3A_127, %log3A_123 : vector<128x128xf32>
    %slice3A_129 = vector.extract_strided_slice %log3A {offsets = [0, 2], sizes = [128, 1], strides = [1, 1]} : vector<128x64xf32> to vector<128x1xf32>
    %add3A_130 = vector.broadcast %slice3A_129 : vector<128x1xf32> to vector<128x128xf32>
    %add3A_131 = arith.addf %add3A_130, %log3A_123 : vector<128x128xf32>
    %slice3A_132 = vector.extract_strided_slice %log3A {offsets = [0, 3], sizes = [128, 1], strides = [1, 1]} : vector<128x64xf32> to vector<128x1xf32>
    %add3A_133 = vector.broadcast %slice3A_132 : vector<128x1xf32> to vector<128x128xf32>
    %add3A_134 = arith.addf %add3A_133, %log3A_123 : vector<128x128xf32>
    %slice3A_135 = vector.extract_strided_slice %log3A {offsets = [0, 4], sizes = [128, 1], strides = [1, 1]} : vector<128x64xf32> to vector<128x1xf32>
    %add3A_136 = vector.broadcast %slice3A_135 : vector<128x1xf32> to vector<128x128xf32>
    %add3A_137 = arith.addf %add3A_136, %log3A_123 : vector<128x128xf32>
    %slice3A_138 = vector.extract_strided_slice %log3A {offsets = [0, 5], sizes = [128, 1], strides = [1, 1]} : vector<128x64xf32> to vector<128x1xf32>
    %add3A_139 = vector.broadcast %slice3A_138 : vector<128x1xf32> to vector<128x128xf32>
    %add3A_140 = arith.addf %add3A_139, %log3A_123 : vector<128x128xf32>
    %slice3A_141 = vector.extract_strided_slice %log3A {offsets = [0, 6], sizes = [128, 1], strides = [1, 1]} : vector<128x64xf32> to vector<128x1xf32>
    %add3A_142 = vector.broadcast %slice3A_141 : vector<128x1xf32> to vector<128x128xf32>
    %add3A_143 = arith.addf %add3A_142, %log3A_123 : vector<128x128xf32>
    %slice3A_144 = vector.extract_strided_slice %log3A {offsets = [0, 7], sizes = [128, 1], strides = [1, 1]} : vector<128x64xf32> to vector<128x1xf32>
    %add3A_145 = vector.broadcast %slice3A_144 : vector<128x1xf32> to vector<128x128xf32>
    %add3A_146 = arith.addf %add3A_145, %log3A_123 : vector<128x128xf32>
    %slice3A_147 = vector.extract_strided_slice %log3A {offsets = [0, 8], sizes = [128, 1], strides = [1, 1]} : vector<128x64xf32> to vector<128x1xf32>
    %add3A_148 = vector.broadcast %slice3A_147 : vector<128x1xf32> to vector<128x128xf32>
    %add3A_149 = arith.addf %add3A_148, %log3A_123 : vector<128x128xf32>
    %slice3A_150 = vector.extract_strided_slice %log3A {offsets = [0, 9], sizes = [128, 1], strides = [1, 1]} : vector<128x64xf32> to vector<128x1xf32>
    %add3A_151 = vector.broadcast %slice3A_150 : vector<128x1xf32> to vector<128x128xf32>
    %add3A_152 = arith.addf %add3A_151, %log3A_123 : vector<128x128xf32>
    %slice3A_153 = vector.extract_strided_slice %log3A {offsets = [0, 10], sizes = [128, 1], strides = [1, 1]} : vector<128x64xf32> to vector<128x1xf32>
    %add3A_154 = vector.broadcast %slice3A_153 : vector<128x1xf32> to vector<128x128xf32>
    %add3A_155 = arith.addf %add3A_154, %log3A_123 : vector<128x128xf32>
    %slice3A_156 = vector.extract_strided_slice %log3A {offsets = [0, 11], sizes = [128, 1], strides = [1, 1]} : vector<128x64xf32> to vector<128x1xf32>
    %add3A_157 = vector.broadcast %slice3A_156 : vector<128x1xf32> to vector<128x128xf32>
    %add3A_158 = arith.addf %add3A_157, %log3A_123 : vector<128x128xf32>
    %slice3A_159 = vector.extract_strided_slice %log3A {offsets = [0, 12], sizes = [128, 1], strides = [1, 1]} : vector<128x64xf32> to vector<128x1xf32>
    %add3A_160 = vector.broadcast %slice3A_159 : vector<128x1xf32> to vector<128x128xf32>
    %add3A_161 = arith.addf %add3A_160, %log3A_123 : vector<128x128xf32>
    %slice3A_162 = vector.extract_strided_slice %log3A {offsets = [0, 13], sizes = [128, 1], strides = [1, 1]} : vector<128x64xf32> to vector<128x1xf32>
    %add3A_163 = vector.broadcast %slice3A_162 : vector<128x1xf32> to vector<128x128xf32>
    %add3A_164 = arith.addf %add3A_163, %log3A_123 : vector<128x128xf32>
    %slice3A_165 = vector.extract_strided_slice %log3A {offsets = [0, 14], sizes = [128, 1], strides = [1, 1]} : vector<128x64xf32> to vector<128x1xf32>
    %add3A_166 = vector.broadcast %slice3A_165 : vector<128x1xf32> to vector<128x128xf32>
    %add3A_167 = arith.addf %add3A_166, %log3A_123 : vector<128x128xf32>
    %slice3A_168 = vector.extract_strided_slice %log3A {offsets = [0, 15], sizes = [128, 1], strides = [1, 1]} : vector<128x64xf32> to vector<128x1xf32>
    %add3A_169 = vector.broadcast %slice3A_168 : vector<128x1xf32> to vector<128x128xf32>
    %add3A_170 = arith.addf %add3A_169, %log3A_123 : vector<128x128xf32>
    %slice3A_171 = vector.extract_strided_slice %log3A {offsets = [0, 16], sizes = [128, 1], strides = [1, 1]} : vector<128x64xf32> to vector<128x1xf32>
    %add3A_172 = vector.broadcast %slice3A_171 : vector<128x1xf32> to vector<128x128xf32>
    %add3A_173 = arith.addf %add3A_172, %log3A_123 : vector<128x128xf32>
    %slice3A_174 = vector.extract_strided_slice %log3A {offsets = [0, 17], sizes = [128, 1], strides = [1, 1]} : vector<128x64xf32> to vector<128x1xf32>
    %add3A_175 = vector.broadcast %slice3A_174 : vector<128x1xf32> to vector<128x128xf32>
    %add3A_176 = arith.addf %add3A_175, %log3A_123 : vector<128x128xf32>
    %slice3A_177 = vector.extract_strided_slice %log3A {offsets = [0, 18], sizes = [128, 1], strides = [1, 1]} : vector<128x64xf32> to vector<128x1xf32>
    %add3A_178 = vector.broadcast %slice3A_177 : vector<128x1xf32> to vector<128x128xf32>
    %add3A_179 = arith.addf %add3A_178, %log3A_123 : vector<128x128xf32>
    %slice3A_180 = vector.extract_strided_slice %log3A {offsets = [0, 19], sizes = [128, 1], strides = [1, 1]} : vector<128x64xf32> to vector<128x1xf32>
    %add3A_181 = vector.broadcast %slice3A_180 : vector<128x1xf32> to vector<128x128xf32>
    %add3A_182 = arith.addf %add3A_181, %log3A_123 : vector<128x128xf32>
    %slice3A_183 = vector.extract_strided_slice %log3A {offsets = [0, 20], sizes = [128, 1], strides = [1, 1]} : vector<128x64xf32> to vector<128x1xf32>
    %add3A_184 = vector.broadcast %slice3A_183 : vector<128x1xf32> to vector<128x128xf32>
    %add3A_185 = arith.addf %add3A_184, %log3A_123 : vector<128x128xf32>
    %slice3A_186 = vector.extract_strided_slice %log3A {offsets = [0, 21], sizes = [128, 1], strides = [1, 1]} : vector<128x64xf32> to vector<128x1xf32>
    %add3A_187 = vector.broadcast %slice3A_186 : vector<128x1xf32> to vector<128x128xf32>
    %add3A_188 = arith.addf %add3A_187, %log3A_123 : vector<128x128xf32>
    %slice3A_189 = vector.extract_strided_slice %log3A {offsets = [0, 22], sizes = [128, 1], strides = [1, 1]} : vector<128x64xf32> to vector<128x1xf32>
    %add3A_190 = vector.broadcast %slice3A_189 : vector<128x1xf32> to vector<128x128xf32>
    %add3A_191 = arith.addf %add3A_190, %log3A_123 : vector<128x128xf32>
    %slice3A_192 = vector.extract_strided_slice %log3A {offsets = [0, 23], sizes = [128, 1], strides = [1, 1]} : vector<128x64xf32> to vector<128x1xf32>
    %add3A_193 = vector.broadcast %slice3A_192 : vector<128x1xf32> to vector<128x128xf32>
    %add3A_194 = arith.addf %add3A_193, %log3A_123 : vector<128x128xf32>
    %slice3A_195 = vector.extract_strided_slice %log3A {offsets = [0, 24], sizes = [128, 1], strides = [1, 1]} : vector<128x64xf32> to vector<128x1xf32>
    %add3A_196 = vector.broadcast %slice3A_195 : vector<128x1xf32> to vector<128x128xf32>
    %add3A_197 = arith.addf %add3A_196, %log3A_123 : vector<128x128xf32>
    %slice3A_198 = vector.extract_strided_slice %log3A {offsets = [0, 25], sizes = [128, 1], strides = [1, 1]} : vector<128x64xf32> to vector<128x1xf32>
    %add3A_199 = vector.broadcast %slice3A_198 : vector<128x1xf32> to vector<128x128xf32>
    %add3A_200 = arith.addf %add3A_199, %log3A_123 : vector<128x128xf32>
    %slice3A_201 = vector.extract_strided_slice %log3A {offsets = [0, 26], sizes = [128, 1], strides = [1, 1]} : vector<128x64xf32> to vector<128x1xf32>
    %add3A_202 = vector.broadcast %slice3A_201 : vector<128x1xf32> to vector<128x128xf32>
    %add3A_203 = arith.addf %add3A_202, %log3A_123 : vector<128x128xf32>
    %slice3A_204 = vector.extract_strided_slice %log3A {offsets = [0, 27], sizes = [128, 1], strides = [1, 1]} : vector<128x64xf32> to vector<128x1xf32>
    %add3A_205 = vector.broadcast %slice3A_204 : vector<128x1xf32> to vector<128x128xf32>
    %add3A_206 = arith.addf %add3A_205, %log3A_123 : vector<128x128xf32>
    %slice3A_207 = vector.extract_strided_slice %log3A {offsets = [0, 28], sizes = [128, 1], strides = [1, 1]} : vector<128x64xf32> to vector<128x1xf32>
    %add3A_208 = vector.broadcast %slice3A_207 : vector<128x1xf32> to vector<128x128xf32>
    %add3A_209 = arith.addf %add3A_208, %log3A_123 : vector<128x128xf32>
    %slice3A_210 = vector.extract_strided_slice %log3A {offsets = [0, 29], sizes = [128, 1], strides = [1, 1]} : vector<128x64xf32> to vector<128x1xf32>
    %add3A_211 = vector.broadcast %slice3A_210 : vector<128x1xf32> to vector<128x128xf32>
    %add3A_212 = arith.addf %add3A_211, %log3A_123 : vector<128x128xf32>
    %slice3A_213 = vector.extract_strided_slice %log3A {offsets = [0, 30], sizes = [128, 1], strides = [1, 1]} : vector<128x64xf32> to vector<128x1xf32>
    %add3A_214 = vector.broadcast %slice3A_213 : vector<128x1xf32> to vector<128x128xf32>
    %add3A_215 = arith.addf %add3A_214, %log3A_123 : vector<128x128xf32>
    %slice3A_216 = vector.extract_strided_slice %log3A {offsets = [0, 31], sizes = [128, 1], strides = [1, 1]} : vector<128x64xf32> to vector<128x1xf32>
    %add3A_217 = vector.broadcast %slice3A_216 : vector<128x1xf32> to vector<128x128xf32>
    %add3A_218 = arith.addf %add3A_217, %log3A_123 : vector<128x128xf32>
    %slice3A_219 = vector.extract_strided_slice %log3A {offsets = [0, 32], sizes = [128, 1], strides = [1, 1]} : vector<128x64xf32> to vector<128x1xf32>
    %add3A_220 = vector.broadcast %slice3A_219 : vector<128x1xf32> to vector<128x128xf32>
    %add3A_221 = arith.addf %add3A_220, %log3A_123 : vector<128x128xf32>
    %slice3A_222 = vector.extract_strided_slice %log3A {offsets = [0, 33], sizes = [128, 1], strides = [1, 1]} : vector<128x64xf32> to vector<128x1xf32>
    %add3A_223 = vector.broadcast %slice3A_222 : vector<128x1xf32> to vector<128x128xf32>
    %add3A_224 = arith.addf %add3A_223, %log3A_123 : vector<128x128xf32>
    %slice3A_225 = vector.extract_strided_slice %log3A {offsets = [0, 34], sizes = [128, 1], strides = [1, 1]} : vector<128x64xf32> to vector<128x1xf32>
    %add3A_226 = vector.broadcast %slice3A_225 : vector<128x1xf32> to vector<128x128xf32>
    %add3A_227 = arith.addf %add3A_226, %log3A_123 : vector<128x128xf32>
    %slice3A_228 = vector.extract_strided_slice %log3A {offsets = [0, 35], sizes = [128, 1], strides = [1, 1]} : vector<128x64xf32> to vector<128x1xf32>
    %add3A_229 = vector.broadcast %slice3A_228 : vector<128x1xf32> to vector<128x128xf32>
    %add3A_230 = arith.addf %add3A_229, %log3A_123 : vector<128x128xf32>
    %slice3A_231 = vector.extract_strided_slice %log3A {offsets = [0, 36], sizes = [128, 1], strides = [1, 1]} : vector<128x64xf32> to vector<128x1xf32>
    %add3A_232 = vector.broadcast %slice3A_231 : vector<128x1xf32> to vector<128x128xf32>
    %add3A_233 = arith.addf %add3A_232, %log3A_123 : vector<128x128xf32>
    %slice3A_234 = vector.extract_strided_slice %log3A {offsets = [0, 37], sizes = [128, 1], strides = [1, 1]} : vector<128x64xf32> to vector<128x1xf32>
    %add3A_235 = vector.broadcast %slice3A_234 : vector<128x1xf32> to vector<128x128xf32>
    %add3A_236 = arith.addf %add3A_235, %log3A_123 : vector<128x128xf32>
    %slice3A_237 = vector.extract_strided_slice %log3A {offsets = [0, 38], sizes = [128, 1], strides = [1, 1]} : vector<128x64xf32> to vector<128x1xf32>
    %add3A_238 = vector.broadcast %slice3A_237 : vector<128x1xf32> to vector<128x128xf32>
    %add3A_239 = arith.addf %add3A_238, %log3A_123 : vector<128x128xf32>
    %slice3A_240 = vector.extract_strided_slice %log3A {offsets = [0, 39], sizes = [128, 1], strides = [1, 1]} : vector<128x64xf32> to vector<128x1xf32>
    %add3A_241 = vector.broadcast %slice3A_240 : vector<128x1xf32> to vector<128x128xf32>
    %add3A_242 = arith.addf %add3A_241, %log3A_123 : vector<128x128xf32>
    %slice3A_243 = vector.extract_strided_slice %log3A {offsets = [0, 40], sizes = [128, 1], strides = [1, 1]} : vector<128x64xf32> to vector<128x1xf32>
    %add3A_244 = vector.broadcast %slice3A_243 : vector<128x1xf32> to vector<128x128xf32>
    %add3A_245 = arith.addf %add3A_244, %log3A_123 : vector<128x128xf32>
    %slice3A_246 = vector.extract_strided_slice %log3A {offsets = [0, 41], sizes = [128, 1], strides = [1, 1]} : vector<128x64xf32> to vector<128x1xf32>
    %add3A_247 = vector.broadcast %slice3A_246 : vector<128x1xf32> to vector<128x128xf32>
    %add3A_248 = arith.addf %add3A_247, %log3A_123 : vector<128x128xf32>
    %slice3A_249 = vector.extract_strided_slice %log3A {offsets = [0, 42], sizes = [128, 1], strides = [1, 1]} : vector<128x64xf32> to vector<128x1xf32>
    %add3A_250 = vector.broadcast %slice3A_249 : vector<128x1xf32> to vector<128x128xf32>
    %add3A_251 = arith.addf %add3A_250, %log3A_123 : vector<128x128xf32>
    %slice3A_252 = vector.extract_strided_slice %log3A {offsets = [0, 43], sizes = [128, 1], strides = [1, 1]} : vector<128x64xf32> to vector<128x1xf32>
    %add3A_253 = vector.broadcast %slice3A_252 : vector<128x1xf32> to vector<128x128xf32>
    %add3A_254 = arith.addf %add3A_253, %log3A_123 : vector<128x128xf32>
    %slice3A_255 = vector.extract_strided_slice %log3A {offsets = [0, 44], sizes = [128, 1], strides = [1, 1]} : vector<128x64xf32> to vector<128x1xf32>
    %add3A_256 = vector.broadcast %slice3A_255 : vector<128x1xf32> to vector<128x128xf32>
    %add3A_257 = arith.addf %add3A_256, %log3A_123 : vector<128x128xf32>
    %slice3A_258 = vector.extract_strided_slice %log3A {offsets = [0, 45], sizes = [128, 1], strides = [1, 1]} : vector<128x64xf32> to vector<128x1xf32>
    %add3A_259 = vector.broadcast %slice3A_258 : vector<128x1xf32> to vector<128x128xf32>
    %add3A_260 = arith.addf %add3A_259, %log3A_123 : vector<128x128xf32>
    %slice3A_261 = vector.extract_strided_slice %log3A {offsets = [0, 46], sizes = [128, 1], strides = [1, 1]} : vector<128x64xf32> to vector<128x1xf32>
    %add3A_262 = vector.broadcast %slice3A_261 : vector<128x1xf32> to vector<128x128xf32>
    %add3A_263 = arith.addf %add3A_262, %log3A_123 : vector<128x128xf32>
    %slice3A_264 = vector.extract_strided_slice %log3A {offsets = [0, 47], sizes = [128, 1], strides = [1, 1]} : vector<128x64xf32> to vector<128x1xf32>
    %add3A_265 = vector.broadcast %slice3A_264 : vector<128x1xf32> to vector<128x128xf32>
    %add3A_266 = arith.addf %add3A_265, %log3A_123 : vector<128x128xf32>
    %slice3A_267 = vector.extract_strided_slice %log3A {offsets = [0, 48], sizes = [128, 1], strides = [1, 1]} : vector<128x64xf32> to vector<128x1xf32>
    %add3A_268 = vector.broadcast %slice3A_267 : vector<128x1xf32> to vector<128x128xf32>
    %add3A_269 = arith.addf %add3A_268, %log3A_123 : vector<128x128xf32>
    %slice3A_270 = vector.extract_strided_slice %log3A {offsets = [0, 49], sizes = [128, 1], strides = [1, 1]} : vector<128x64xf32> to vector<128x1xf32>
    %add3A_271 = vector.broadcast %slice3A_270 : vector<128x1xf32> to vector<128x128xf32>
    %add3A_272 = arith.addf %add3A_271, %log3A_123 : vector<128x128xf32>
    %slice3A_273 = vector.extract_strided_slice %log3A {offsets = [0, 50], sizes = [128, 1], strides = [1, 1]} : vector<128x64xf32> to vector<128x1xf32>
    %add3A_274 = vector.broadcast %slice3A_273 : vector<128x1xf32> to vector<128x128xf32>
    %add3A_275 = arith.addf %add3A_274, %log3A_123 : vector<128x128xf32>
    %slice3A_276 = vector.extract_strided_slice %log3A {offsets = [0, 51], sizes = [128, 1], strides = [1, 1]} : vector<128x64xf32> to vector<128x1xf32>
    %add3A_277 = vector.broadcast %slice3A_276 : vector<128x1xf32> to vector<128x128xf32>
    %add3A_278 = arith.addf %add3A_277, %log3A_123 : vector<128x128xf32>
    %slice3A_279 = vector.extract_strided_slice %log3A {offsets = [0, 52], sizes = [128, 1], strides = [1, 1]} : vector<128x64xf32> to vector<128x1xf32>
    %add3A_280 = vector.broadcast %slice3A_279 : vector<128x1xf32> to vector<128x128xf32>
    %add3A_281 = arith.addf %add3A_280, %log3A_123 : vector<128x128xf32>
    %slice3A_282 = vector.extract_strided_slice %log3A {offsets = [0, 53], sizes = [128, 1], strides = [1, 1]} : vector<128x64xf32> to vector<128x1xf32>
    %add3A_283 = vector.broadcast %slice3A_282 : vector<128x1xf32> to vector<128x128xf32>
    %add3A_284 = arith.addf %add3A_283, %log3A_123 : vector<128x128xf32>
    %slice3A_285 = vector.extract_strided_slice %log3A {offsets = [0, 54], sizes = [128, 1], strides = [1, 1]} : vector<128x64xf32> to vector<128x1xf32>
    %add3A_286 = vector.broadcast %slice3A_285 : vector<128x1xf32> to vector<128x128xf32>
    %add3A_287 = arith.addf %add3A_286, %log3A_123 : vector<128x128xf32>
    %slice3A_288 = vector.extract_strided_slice %log3A {offsets = [0, 55], sizes = [128, 1], strides = [1, 1]} : vector<128x64xf32> to vector<128x1xf32>
    %add3A_289 = vector.broadcast %slice3A_288 : vector<128x1xf32> to vector<128x128xf32>
    %add3A_290 = arith.addf %add3A_289, %log3A_123 : vector<128x128xf32>
    %slice3A_291 = vector.extract_strided_slice %log3A {offsets = [0, 56], sizes = [128, 1], strides = [1, 1]} : vector<128x64xf32> to vector<128x1xf32>
    %add3A_292 = vector.broadcast %slice3A_291 : vector<128x1xf32> to vector<128x128xf32>
    %add3A_293 = arith.addf %add3A_292, %log3A_123 : vector<128x128xf32>
    %slice3A_294 = vector.extract_strided_slice %log3A {offsets = [0, 57], sizes = [128, 1], strides = [1, 1]} : vector<128x64xf32> to vector<128x1xf32>
    %add3A_295 = vector.broadcast %slice3A_294 : vector<128x1xf32> to vector<128x128xf32>
    %add3A_296 = arith.addf %add3A_295, %log3A_123 : vector<128x128xf32>
    %slice3A_297 = vector.extract_strided_slice %log3A {offsets = [0, 58], sizes = [128, 1], strides = [1, 1]} : vector<128x64xf32> to vector<128x1xf32>
    %add3A_298 = vector.broadcast %slice3A_297 : vector<128x1xf32> to vector<128x128xf32>
    %add3A_299 = arith.addf %add3A_298, %log3A_123 : vector<128x128xf32>
    %slice3A_300 = vector.extract_strided_slice %log3A {offsets = [0, 59], sizes = [128, 1], strides = [1, 1]} : vector<128x64xf32> to vector<128x1xf32>
    %add3A_301 = vector.broadcast %slice3A_300 : vector<128x1xf32> to vector<128x128xf32>
    %add3A_302 = arith.addf %add3A_301, %log3A_123 : vector<128x128xf32>
    %slice3A_303 = vector.extract_strided_slice %log3A {offsets = [0, 60], sizes = [128, 1], strides = [1, 1]} : vector<128x64xf32> to vector<128x1xf32>
    %add3A_304 = vector.broadcast %slice3A_303 : vector<128x1xf32> to vector<128x128xf32>
    %add3A_305 = arith.addf %add3A_304, %log3A_123 : vector<128x128xf32>
    %slice3A_306 = vector.extract_strided_slice %log3A {offsets = [0, 61], sizes = [128, 1], strides = [1, 1]} : vector<128x64xf32> to vector<128x1xf32>
    %add3A_307 = vector.broadcast %slice3A_306 : vector<128x1xf32> to vector<128x128xf32>
    %add3A_308 = arith.addf %add3A_307, %log3A_123 : vector<128x128xf32>
    %slice3A_309 = vector.extract_strided_slice %log3A {offsets = [0, 62], sizes = [128, 1], strides = [1, 1]} : vector<128x64xf32> to vector<128x1xf32>
    %add3A_310 = vector.broadcast %slice3A_309 : vector<128x1xf32> to vector<128x128xf32>
    %add3A_311 = arith.addf %add3A_310, %log3A_123 : vector<128x128xf32>
    %slice3A_312 = vector.extract_strided_slice %log3A {offsets = [0, 63], sizes = [128, 1], strides = [1, 1]} : vector<128x64xf32> to vector<128x1xf32>
    %add3A_313 = vector.broadcast %slice3A_312 : vector<128x1xf32> to vector<128x128xf32>
    %add3A_314 = arith.addf %add3A_313, %log3A_123 : vector<128x128xf32>
    %concatenate3A = tpu.concatenate %add3A_125, %add3A_128, %add3A_131, %add3A_134, %add3A_137, %add3A_140, %add3A_143, %add3A_146, %add3A_149, %add3A_152, %add3A_155, %add3A_158, %add3A_161, %add3A_164, %add3A_167, %add3A_170, %add3A_173, %add3A_176, %add3A_179, %add3A_182, %add3A_185, %add3A_188, %add3A_191, %add3A_194, %add3A_197, %add3A_200, %add3A_203, %add3A_206, %add3A_209, %add3A_212, %add3A_215, %add3A_218, %add3A_221, %add3A_224, %add3A_227, %add3A_230, %add3A_233, %add3A_236, %add3A_239, %add3A_242, %add3A_245, %add3A_248, %add3A_251, %add3A_254, %add3A_257, %add3A_260, %add3A_263, %add3A_266, %add3A_269, %add3A_272, %add3A_275, %add3A_278, %add3A_281, %add3A_284, %add3A_287, %add3A_290, %add3A_293, %add3A_296, %add3A_299, %add3A_302, %add3A_305, %add3A_308, %add3A_311, %add3A_314 in 1 : vector<128x128xf32>, vector<128x128xf32>, vector<128x128xf32>, vector<128x128xf32>, vector<128x128xf32>, vector<128x128xf32>, vector<128x128xf32>, vector<128x128xf32>, vector<128x128xf32>, vector<128x128xf32>, vector<128x128xf32>, vector<128x128xf32>, vector<128x128xf32>, vector<128x128xf32>, vector<128x128xf32>, vector<128x128xf32>, vector<128x128xf32>, vector<128x128xf32>, vector<128x128xf32>, vector<128x128xf32>, vector<128x128xf32>, vector<128x128xf32>, vector<128x128xf32>, vector<128x128xf32>, vector<128x128xf32>, vector<128x128xf32>, vector<128x128xf32>, vector<128x128xf32>, vector<128x128xf32>, vector<128x128xf32>, vector<128x128xf32>, vector<128x128xf32>, vector<128x128xf32>, vector<128x128xf32>, vector<128x128xf32>, vector<128x128xf32>, vector<128x128xf32>, vector<128x128xf32>, vector<128x128xf32>, vector<128x128xf32>, vector<128x128xf32>, vector<128x128xf32>, vector<128x128xf32>, vector<128x128xf32>, vector<128x128xf32>, vector<128x128xf32>, vector<128x128xf32>, vector<128x128xf32>, vector<128x128xf32>, vector<128x128xf32>, vector<128x128xf32>, vector<128x128xf32>, vector<128x128xf32>, vector<128x128xf32>, vector<128x128xf32>, vector<128x128xf32>, vector<128x128xf32>, vector<128x128xf32>, vector<128x128xf32>, vector<128x128xf32>, vector<128x128xf32>, vector<128x128xf32>, vector<128x128xf32>, vector<128x128xf32> -> vector<128x8192xf32>
    %max3A_315 = arith.constant -13.8155107 : f32
    %max3A_316 = vector.broadcast %max3A_315 : f32 to vector<128x8192xf32>
    %max3A_317 = arith.maximumf %concatenate3A, %max3A_316 : vector<128x8192xf32>
    %add3A_318 = vector.broadcast %add3A : vector<1x8192xf32> to vector<128x8192xf32>
    %add3A_319 = arith.addf %max3A_317, %add3A_318 : vector<128x8192xf32>
    %mul3A_320 = arith.constant 1.000000e+00 : f32
    %mul3A_321 = vector.broadcast %mul3A_320 : f32 to vector<128x8192xf32>
    %mul3A_322 = arith.mulf %mul3A_321, %mul3A_110 : vector<128x8192xf32>
    %add3A_323 = arith.addf %add3A_319, %mul3A_322 : vector<128x8192xf32>
    %gt3A_324 = arith.constant 0.000000e+00 : f32
    %gt3A_325 = vector.broadcast %gt3A_324 : f32 to vector<1x8192xf32>
    %gt3A_326 = arith.cmpf ogt, %convert_element_type3A_7, %gt3A_325 : vector<1x8192xf32>
    %jit3A_327 = arith.constant -1.000000e+09 : f32
    %broadcast_in_dim3A_328 = vector.shape_cast %gt3A_326 : vector<1x8192xi1> to vector<1x8192xi1>
    %broadcast_in_dim3A_329 = vector.broadcast %broadcast_in_dim3A_328 : vector<1x8192xi1> to vector<128x8192xi1>
    %broadcast_in_dim3A_330 = vector.broadcast %jit3A_327 : f32 to vector<128x8192xf32>
    %select_n3A = arith.select %broadcast_in_dim3A_329, %add3A_323, %broadcast_in_dim3A_330 : vector<128x8192xi1>, vector<128x8192xf32>
    %mul3A_331 = vector.broadcast %div3A_75 : vector<1x1xf32> to vector<128x8192xf32>
    %mul3A_332 = arith.mulf %select_n3A, %mul3A_331 : vector<128x8192xf32>
    %reduce_max3A_333 = arith.constant dense<0xFF800000> : vector<128xf32>
    %reduce_max3A_334 = vector.multi_reduction <maximumf>, %mul3A_332, %reduce_max3A_333 [1] : vector<128x8192xf32> to vector<128xf32>
    %broadcast_in_dim3A_335 = vector.shape_cast %reduce_max3A_334 : vector<128xf32> to vector<128x1xf32>
    %sub3A_336 = vector.broadcast %broadcast_in_dim3A_335 : vector<128x1xf32> to vector<128x8192xf32>
    %sub3A_337 = arith.subf %mul3A_332, %sub3A_336 : vector<128x8192xf32>
    %exp3A = math.exp %sub3A_337 : vector<128x8192xf32>
    %reduce_sum3A_338 = arith.constant dense<0.000000e+00> : vector<128xf32>
    %reduce_sum3A_339 = vector.multi_reduction <add>, %exp3A, %reduce_sum3A_338 [1] : vector<128x8192xf32> to vector<128xf32>
    %broadcast_in_dim3A_340 = vector.shape_cast %reduce_sum3A_339 : vector<128xf32> to vector<128x1xf32>
    %div3A_341 = vector.broadcast %broadcast_in_dim3A_340 : vector<128x1xf32> to vector<128x8192xf32>
    %div3A_342 = arith.divf %exp3A, %div3A_341 : vector<128x8192xf32>
    %mul3A_343 = vector.broadcast %convert_element_type3A_7 : vector<1x8192xf32> to vector<128x8192xf32>
    %mul3A_344 = arith.mulf %div3A_342, %mul3A_343 : vector<128x8192xf32>
    %reduce_sum3A_345 = arith.constant dense<0.000000e+00> : vector<128xf32>
    %reduce_sum3A_346 = vector.multi_reduction <add>, %mul3A_344, %reduce_sum3A_345 [1] : vector<128x8192xf32> to vector<128xf32>
    %broadcast_in_dim3A_347 = vector.shape_cast %reduce_sum3A_346 : vector<128xf32> to vector<128x1xf32>
    %max3A_348 = arith.constant 9.99999997E-7 : f32
    %max3A_349 = vector.broadcast %max3A_348 : f32 to vector<128x1xf32>
    %max3A_350 = arith.maximumf %broadcast_in_dim3A_347, %max3A_349 : vector<128x1xf32>
    %div3A_351 = vector.broadcast %max3A_350 : vector<128x1xf32> to vector<128x8192xf32>
    %div3A_352 = arith.divf %mul3A_344, %div3A_351 : vector<128x8192xf32>
    %swap3A = arith.constant 0 : index
    %swap3A_353 = arith.constant 0 : index
    %swap3A_354 = vector.load %arg12[%swap3A, %swap3A_353] : memref<128x8192xf32, #tpu.memory_space<vmem>>, vector<128x8192xf32>
    tpu.vector_store %arg12[%swap3A, %swap3A_353], %div3A_352 {strides = array<i32>} : memref<128x8192xf32, #tpu.memory_space<vmem>>, vector<128x8192xf32>,
    %get3A_355 = arith.constant 0 : index
    %get3A_356 = arith.constant 0 : index
    %get3A_357 = vector.load %arg5[%get3A_355, %get3A_356] : memref<8192x64xf32, #tpu.memory_space<vmem>>, vector<8192x64xf32>
    %dot_general3A_358 = arith.constant dense<0.000000e+00> : vector<128x64xf32>
    %dot_general3A_359 = tpu.matmul %div3A_352, %get3A_357, %dot_general3A_358 {dimension_numbers = #tpu.dot_dimension_numbers<[1], [0], [0], [1], [0, 0, 1, 1], [], []>, transpose_lhs_hint = false} : vector<128x8192xf32>, vector<8192x64xf32>, vector<128x64xf32> -> vector<128x64xf32>
    %swap3A_360 = arith.constant 0 : index
    %swap3A_361 = arith.constant 0 : index
    %swap3A_362 = vector.load %arg9[%swap3A_360, %swap3A_361] : memref<128x64xf32, #tpu.memory_space<vmem>>, vector<128x64xf32>
    tpu.vector_store %arg9[%swap3A_360, %swap3A_361], %dot_general3A_359 {strides = array<i32>} : memref<128x64xf32, #tpu.memory_space<vmem>>, vector<128x64xf32>,
    %get3A_363 = arith.constant 0 : index
    %get3A_364 = arith.constant 0 : index
    %get3A_365 = vector.load %arg6[%get3A_363, %get3A_364] : memref<8192x64xf32, #tpu.memory_space<vmem>>, vector<8192x64xf32>
    %dot_general3A_366 = arith.constant dense<0.000000e+00> : vector<128x64xf32>
    %dot_general3A_367 = tpu.matmul %div3A_352, %get3A_365, %dot_general3A_366 {dimension_numbers = #tpu.dot_dimension_numbers<[1], [0], [0], [1], [0, 0, 1, 1], [], []>, transpose_lhs_hint = false} : vector<128x8192xf32>, vector<8192x64xf32>, vector<128x64xf32> -> vector<128x64xf32>
    %swap3A_368 = arith.constant 0 : index
    %swap3A_369 = arith.constant 0 : index
    %swap3A_370 = vector.load %arg10[%swap3A_368, %swap3A_369] : memref<128x64xf32, #tpu.memory_space<vmem>>, vector<128x64xf32>
    tpu.vector_store %arg10[%swap3A_368, %swap3A_369], %dot_general3A_367 {strides = array<i32>} : memref<128x64xf32, #tpu.memory_space<vmem>>, vector<128x64xf32>,
    %reduce_max3A_371 = arith.constant dense<0xFF800000> : vector<128xf32>
    %reduce_max3A_372 = vector.multi_reduction <maximumf>, %div3A_352, %reduce_max3A_371 [1] : vector<128x8192xf32> to vector<128xf32>
    %broadcast_in_dim3A_373 = vector.shape_cast %reduce_max3A_372 : vector<128xf32> to vector<128x1xf32>
    %iota3A = tpu.iota {dimensions = array<i32: 1>} : vector<1x8192xi32>
    %eq3A = vector.broadcast %broadcast_in_dim3A_373 : vector<128x1xf32> to vector<128x8192xf32>
    %eq3A_374 = arith.cmpf oeq, %div3A_352, %eq3A : vector<128x8192xf32>
    %jit3A_375 = arith.constant 8192 : i32
    %broadcast_in_dim3A_376 = vector.shape_cast %iota3A : vector<1x8192xi32> to vector<1x8192xi32>
    %broadcast_in_dim3A_377 = vector.broadcast %broadcast_in_dim3A_376 : vector<1x8192xi32> to vector<128x8192xi32>
    %broadcast_in_dim3A_378 = vector.broadcast %jit3A_375 : i32 to vector<128x8192xi32>
    %select_n3A_379 = arith.select %eq3A_374, %broadcast_in_dim3A_377, %broadcast_in_dim3A_378 : vector<128x8192xi1>, vector<128x8192xi32>
    %reduce_min3A = arith.constant dense<2147483647> : vector<128xi32>
    %reduce_min3A_380 = vector.multi_reduction <minsi>, %select_n3A_379, %reduce_min3A [1] : vector<128x8192xi32> to vector<128xi32>
    %broadcast_in_dim3A_381 = vector.shape_cast %reduce_min3A_380 : vector<128xi32> to vector<128x1xi32>
    %eq3A_382 = vector.broadcast %iota3A : vector<1x8192xi32> to vector<128x8192xi32>
    %eq3A_383 = vector.broadcast %broadcast_in_dim3A_381 : vector<128x1xi32> to vector<128x8192xi32>
    %eq3A_384 = arith.cmpi eq, %eq3A_382, %eq3A_383 : vector<128x8192xi32>
    %convert_element_type3A_385 = arith.extui %eq3A_384 : vector<128x8192xi1> to vector<128x8192xi32>
    %convert_element_type3A_386 = arith.sitofp %convert_element_type3A_385 : vector<128x8192xi32> to vector<128x8192xf32>
    %mul3A_387 = vector.broadcast %min3A_52 : vector<1x8192xf32> to vector<128x8192xf32>
    %mul3A_388 = arith.mulf %convert_element_type3A_386, %mul3A_387 : vector<128x8192xf32>
    %reduce_sum3A_389 = arith.constant dense<0.000000e+00> : vector<128xf32>
    %reduce_sum3A_390 = vector.multi_reduction <add>, %mul3A_388, %reduce_sum3A_389 [1] : vector<128x8192xf32> to vector<128xf32>
    %broadcast_in_dim3A_391 = vector.shape_cast %reduce_sum3A_390 : vector<128xf32> to vector<128x1xf32>
    %mul3A_392 = arith.mulf %convert_element_type3A_386, %mul3A_110 : vector<128x8192xf32>
    %reduce_sum3A_393 = arith.constant dense<0.000000e+00> : vector<128xf32>
    %reduce_sum3A_394 = vector.multi_reduction <add>, %mul3A_392, %reduce_sum3A_393 [1] : vector<128x8192xf32> to vector<128xf32>
    %broadcast_in_dim3A_395 = vector.shape_cast %reduce_sum3A_394 : vector<128xf32> to vector<128x1xf32>
    %swap3A_396 = arith.constant 0 : index
    %swap3A_397 = arith.constant 0 : index
    %swap3A_398 = vector.load %arg13[%swap3A_396, %swap3A_397] : memref<128x1xf32, #tpu.memory_space<vmem>>, vector<128x1xf32>
    tpu.vector_store %arg13[%swap3A_396, %swap3A_397], %broadcast_in_dim3A_373 {strides = array<i32>} : memref<128x1xf32, #tpu.memory_space<vmem>>, vector<128x1xf32>,
    %mul3A_399 = arith.mulf %broadcast_in_dim3A_373, %broadcast_in_dim3A_391 : vector<128x1xf32>
    %mul3A_400 = arith.mulf %mul3A_399, %broadcast_in_dim3A_395 : vector<128x1xf32>
    %mul3A_401 = vector.broadcast %min3A_16 : vector<1x1xf32> to vector<128x1xf32>
    %mul3A_402 = arith.mulf %mul3A_400, %mul3A_401 : vector<128x1xf32>
    %jit3A_403 = arith.constant 0.000000e+00 : f32
    %jit3A_404 = arith.constant 1.000000e+00 : f32
    %max3A_405 = vector.broadcast %jit3A_403 : f32 to vector<128x1xf32>
    %max3A_406 = arith.maximumf %max3A_405, %mul3A_402 : vector<128x1xf32>
    %min3A_407 = vector.broadcast %jit3A_404 : f32 to vector<128x1xf32>
    %min3A_408 = arith.minimumf %min3A_407, %max3A_406 : vector<128x1xf32>
    %swap3A_409 = arith.constant 0 : index
    %swap3A_410 = arith.constant 0 : index
    %swap3A_411 = vector.load %arg11[%swap3A_409, %swap3A_410] : memref<128x1xf32, #tpu.memory_space<vmem>>, vector<128x1xf32>
    tpu.vector_store %arg11[%swap3A_409, %swap3A_410], %min3A_408 {strides = array<i32>} : memref<128x1xf32, #tpu.memory_space<vmem>>, vector<128x1xf32>,
    return
  }
  func.func @transform_0(%arg0: i32) -> (i32, i32) {
    %c0_i32 = arith.constant 0 : i32
    %c0_i32_0 = arith.constant 0 : i32
    return %arg0, %c0_i32 : i32, i32
  }
  func.func @transform_1(%arg0: i32) -> (i32, i32) {
    %c0_i32 = arith.constant 0 : i32
    %c0_i32_0 = arith.constant 0 : i32
    return %arg0, %c0_i32 : i32, i32
  }
  func.func @transform_2(%arg0: i32) -> (i32, i32) {
    %c0_i32 = arith.constant 0 : i32
    %c0_i32_0 = arith.constant 0 : i32
    return %arg0, %c0_i32 : i32, i32
  }
  func.func @transform_3(%arg0: i32) -> (i32, i32) {
    %c0_i32 = arith.constant 0 : i32
    %c0_i32_0 = arith.constant 0 : i32
    %c0_i32_1 = arith.constant 0 : i32
    return %c0_i32, %c0_i32_0 : i32, i32
  }
  func.func @transform_4(%arg0: i32) -> (i32, i32) {
    %c0_i32 = arith.constant 0 : i32
    %c0_i32_0 = arith.constant 0 : i32
    %c0_i32_1 = arith.constant 0 : i32
    return %c0_i32, %c0_i32_0 : i32, i32
  }
  func.func @transform_5(%arg0: i32) -> (i32, i32) {
    %c0_i32 = arith.constant 0 : i32
    %c0_i32_0 = arith.constant 0 : i32
    %c0_i32_1 = arith.constant 0 : i32
    return %c0_i32, %c0_i32_0 : i32, i32
  }
  func.func @transform_6(%arg0: i32) -> (i32, i32) {
    %c0_i32 = arith.constant 0 : i32
    %c0_i32_0 = arith.constant 0 : i32
    %c0_i32_1 = arith.constant 0 : i32
    return %c0_i32, %c0_i32_0 : i32, i32
  }
  func.func @transform_7(%arg0: i32) -> (i32, i32) {
    %c0_i32 = arith.constant 0 : i32
    %c0_i32_0 = arith.constant 0 : i32
    %c0_i32_1 = arith.constant 0 : i32
    return %c0_i32, %c0_i32_0 : i32, i32
  }
  func.func @transform_8(%arg0: i32) -> (i32, i32) {
    %c0_i32 = arith.constant 0 : i32
    %c0_i32_0 = arith.constant 0 : i32
    return %arg0, %c0_i32 : i32, i32
  }
  func.func @transform_9(%arg0: i32) -> (i32, i32) {
    %c0_i32 = arith.constant 0 : i32
    %c0_i32_0 = arith.constant 0 : i32
    return %arg0, %c0_i32 : i32, i32
  }
  func.func @transform_10(%arg0: i32) -> (i32, i32) {
    %c0_i32 = arith.constant 0 : i32
    %c0_i32_0 = arith.constant 0 : i32
    return %arg0, %c0_i32 : i32, i32
  }
  func.func @transform_11(%arg0: i32) -> (i32, i32) {
    %c0_i32 = arith.constant 0 : i32
    %c0_i32_0 = arith.constant 0 : i32
    return %arg0, %c0_i32 : i32, i32
  }
  func.func @transform_12(%arg0: i32) -> (i32, i32) {
    %c0_i32 = arith.constant 0 : i32
    %c0_i32_0 = arith.constant 0 : i32
    return %arg0, %c0_i32 : i32, i32
  }
}

</mosaic_0001>

<sc_bundles>
// kernel: sparse-core-data-format-call.cloned.1.call-start
scs
called_computation_lowered:
.L_overlay_start_0:
0x0: {  	s2 =	sld [smem:$0x3FD9]  }
0x1: {  	s3 =	sld [smem:$0x3FFE];
	_ =	sdelay $0x1  }
0x2: {  	s1 =	srdreg.scid  }
0x3: {  	s0 =	sand.u32 $0x1, s1  }
0x4: {  	s15 =	sshll.u32 s0, $0xA;
	s2 =	sadd.s32 s3, s2  }
0x5: {  	s2 =	sadd.s32 s2, s15  }
0x6: {  	[smem:$0x3FC1] =	sst s2  }
0x7: {  	_ = 	snop  }
0x8: {  	s2 =	sld [smem:$0x3FD0];
	_ =	sdelay $0x2  }
0x9: {  	s16 =	simm.s32 $0xA;
	s4 =	simm.s32 $0x10  }
0xa: {  	[smem:s4], [sflag:s16] =	dma.local [hbm:s2], $0x1  }
0xb: {  	_ =	swait.eq [sflag:s16], $0x1  }
0xc: {  	[sflag:s16] =	ssyncset.done $0x0  }
0xd: {  	[sflag:s16] =	ssyncadd.s32 $0xFFFFFFFF  }
0xe: {  	s17 =	sld [smem:$0x13];
	(tm) =	ssettm $0x1  }
0xf: {  	s18 =	sld [smem:$0x3FFB];
	_ =	sdelay $0x3  }
0x10: {  	_ =	strace s18  }
0x11: {  	s3 =	sld [smem:$0x3FFC];
	_ =	sdelay $0x3  }
0x12: {  	_ =	strace s3  }
0x13: {  	s3 =	sld [smem:$0x3FFD];
	_ =	sdelay $0x3  }
0x14: {  	_ =	strace s3  }
0x15: {  	_ =	strace $0x8FFFFFFF  }
0x16: {  	s19 =	sld [smem:$0x3FDB];
	_ =	sdelay $0x1  }
0x17: {  	s20 =	simm.s32 $_scs_section_size  }
0x18: {  	s5 =	simm.s32 $_size__tile_overlayer_lowered;
	s6 =	simm.s32 $_tile_overlayer_lowered  }
0x19: {  	s23 =	simm.s32 $0x1BFF;
	s22 =	sshll.u32 s6, $0x1;
	s3 =	sadd.s32 s20, s19  }
0x1a: {  	s7 =	simm.s32 $0x0;
	s21 =	sshll.u32 s5, $0x1;
	s5 =	sadd.s32 s22, s3  }
0x1b: {  	[timem:s7], [sflag:s23] =	dma.local [hbm:s5], s21  }
0x1c: {  	_ =	swait.ge [sflag:s23], s21  }
0x1d: {  	s4 =	ssub.s32 $0x0, s21;
	[sflag:s23] =	ssyncset.done $0x0  }
0x1e: {  	[sflag:s23] =	ssyncadd.s32 s4;
	_ =	sdelay $0x1  }
0x1f: {  	s24 =	simm.s32 $0x1B8B  }
0x20: {  	_ =	swait.ge [sflag:s24], $0x1  }
0x21: {  	[sflag:s24] =	ssyncset.done $0x0  }
0x22: {  	s26 =	simm.s32 $0x1B8E;
	s25 =	sld [smem:$0x3FFE];
	[sflag:s24] =	ssyncadd.s32 $0xFFFFFFFF  }
0x23: {  	s27 =	simm.s32 $execute0_lowered;
	[smem:$0x3FD2] =	sst s26  }
0x24: {  	s5 =	sshll.u32 s27, $0x1;
	_ =	strace $0x80000046;
	[dreg:$0x1] =	wrdreg $0xFFFFFFFF  }
0x25: {  	s28 =	simm.s32 $_size_execute0_lowered;
	s3 =	sadd.s32 s3, s5;
	[dreg:$0x0] =	wrdreg $0x0  }
0x26: {  	s5 =	sshll.u32 s28, $0x1;
	[dreg:$0x2] =	wrdreg s3  }
0x27: {  	[dreg:$0x3] =	wrdreg s5  }
0x28: {  	[dreg:$0x4] =	wrdreg $0xC0  }
0x29: {  	_ =	task [dreg:s7], $0x5FFFF  }
0x2a: {  	[dreg:$0x1] =	wrdreg $0xFFFFFFFF  }
0x2b: {  	[dreg:$0x0] =	wrdreg $0x60  }
0x2c: {  	[dreg:$0x2] =	wrdreg s25  }
0x2d: {  	[dreg:$0x3] =	wrdreg s17  }
0x2e: {  	[dreg:$0x4] =	wrdreg $0x9  }
0x2f: {  	_ =	task.clear_ibuf [dreg:s7], $0x5FFFF;
	_ =	strace $0x90000046  }
0x30: {  	s29 =	simm.s32 $0x9;
	_ =	strace $0x80000048  }
0x31: {  	_ =	swait.ge [sflag:s29], $0x1  }
0x32: {  	[sflag:s29] =	ssyncadd.s32 $0xFFFFFFFF  }
0x33: {  	_ =	strace $0x90000048  }
0x34: {  	_ =	sfence  }
0x35: {  	s30 =	sld [smem:$0x0];
	_ =	sdelay $0x2  }
0x36: {  	s31 =	sshll.u32 s1, $0xD;
	s1 =	sshrl.u32 s1, $0x2  }
0x37: {  	s3 =	sand.u32 $0x4000, s31;
	s1 =	sadd.s32 s1, s30  }
0x38: {  	s0 =	sor.u32 s3, s0;
	s1 =	sshll.u32 s1, $0x11  }
0x39: {  	s0 =	sor.u32 s1, s0  }
0x3a: {  	s0 =	sadd.s32 $0x8F2B, s0  }
0x3b: {  	[sflag:s0] =	ssyncadd.remote.s32 $0x1  }
0x3c: {  	_ =	sfence.sel $0xFFFF  }
0x3d: {  	[dreg:$0x0] =	wrdreg $0xFFFFFFFF;
	(pc) =	sbr.abs _section_cstart, $3  }
0x3e: {  	[dreg:$0x1] =	wrdreg $0xFFFFFFFF  }
0x3f: {  	_ =	task.clear_ibuf [dreg:s7], $0x2FFFF;
	_ =	strace $0x9FFFFFFF  }
0x40: {  	(tm) =	ssettm $0x7FFFFFFF  }
0x41: {  	_ =	shalt  }
tec
execute0_lowered:
.L_overlay_start_1:
0x0: {  	(tag) =	ssettag $0x1  }
0x1: {  	s1 =	rddreg [dreg:$0x0]  }
0x2: {  	s2 =	rddreg [dreg:$0x1]  }
0x3: {  	s0 =	rddreg [dreg:$0x2];
	_ =	strace $0x80000047;
	s4 =	srdreg.scid  }
0x4: {  	s6 =	simm.s32 $0x2;
	s11 =	simm.s32 $0x0;
	p0 =	por $0x0, $0x0  }
.Ltmp0:
0x5: {  	s7 =	simm.s32 $0x2000;
	s12 =	simm.s32 $0x0;
	(pc) =	sbr.rel .LBB1_1-.Ltmp0, $4  }
0x6: {  	s9 =	simm.s32 $0x0;
	s3 =	sadd.s32 $0x1800, s1;
	s5 =	sshll.u32 s4, $0x4  }
0x7: {  	s1 =	stileid.u32;
	s4 =	simm.s32 $0x1;
	s5 =	sand.u32 $0x10, s5  }
0x8: {  	s8 =	simm.s32 $0x0;
	[sflag:s4] =	ssyncpa.u1 $0x0;
	s5 =	sor.u32 s1, s5  }
0x9: {  	[sflag:s6] =	ssyncpa.u1 $0x0;
	s6 =	simm.s32 $0x800;
	s10 =	smov.u32 s5  }
.LBB1_7:
0xa: {  	s13 =	sadd.s32 $0x10, s9  }
0xb: {  	s11 =	sadd.s32 $0x20, s10;
	s15 =	smov.u32 s10;
	p2 =	sgt.s32 s13, $0x3F  }
0xc: {  	p1 =	slt.u32 s8, $0x2;
	s15 =	smov.u32 @p2 s11  }
0xd: {  	s8 =	sadd.s32 $0x1, s8;
	s13 =	simm.s32 @p2 $0x0;
	p2 =	sgt.s32 s15, $0x1FF  }
0xe: {  	s15 =	smov.u32 @p2 s5;
	p2 =	sne.s32 s8, $0x42  }
.Ltmp1:
0xf: {  	_ = 	snop;
	(pc) =	sbr.rel @!p2 .LBB1_8-.Ltmp1, $4  }
0x10: {  	s14 =	simm.s32 @!p1 $0x2  }
0x11: {  	s12 =	smov.u32 s10;
	_ =	swait.ge @!p1 [sflag:s14], $0x4000  }
0x12: {  	p0 =	por !p0, !p0;
	s11 =	smov.u32 s9;
	[sflag:s14] =	ssyncset.done @!p1 $0x0  }
0x13: {  	s9 =	smov.u32 s13;
	[sflag:s14] =	ssyncadd.s32 @!p1 $0xFFFFC000;
	s10 =	smov.u32 s15  }
.LBB1_1:
0x14: {  	p1 =	sgt.u32 s8, $0x3F  }
0x15: {  	s13 =	sxor.u32 @!p1 $0xFFFFFFFF, s8;
	s14 =	sshll.u32 @!p1 s10, $0xD  }
0x16: {  	s15 =	sshll.u32 @!p1 s9, $0x7;
	s13 =	sshll.u32 @!p1 s13, $0xE;
	s14 =	sadd.s32 @!p1 s3, s14  }
0x17: {  	s13 =	sand.u32 @!p1 $0x4000, s13;
	s14 =	sadd.s32 @!p1 s15, s14;
	s15 =	simm.s32 @!p1 $0x0  }
0x18: {  	[tilespmem:s13], [sflag:$0x1] =	stream.linear.gather @!p1 [hbm4b:s14+s15], $0x4000, $0x38;
	[tilespmem:$0x10000] =	vst v63  }
0x19: {  	p1 =	seq.s32 s8, $0x0  }
0x1a: {  	p2 =	seq.s32 @!p1 s8, $0x41  }
0x1b: {  	p1 =	por p1, p2  }
.Ltmp2:
0x1c: {  	_ = 	snop;
	(pc) =	sbr.rel @p1 .LBB1_7-.Ltmp2, $1  }
0x1d: {  	_ =	sdelay $0x3  }
0x1e: {  	s13 =	simm.s32 $0x1;
	_ =	swait.ge [sflag:s4], $0x4000;
	s16 =	sshll.u32 s8, $0xE  }
0x1f: {  	s13 =	simm.s32 @!p0 $0x0;
	[sflag:s4] =	ssyncset.done $0x0;
	s31 =	sand.u32 $0x4000, s16  }
0x20: {  	s16 =	simm.s32 $0x0;
	s14 =	sshll.u32 s13, $0xE;
	[sflag:s4] =	ssyncadd.s32 $0xFFFFC000  }
0x21: {  	s13 =	sor.u32 $0x8040, s14;
	s15 =	sor.u32 $0x40, s14;
	s14 =	sor.u32 $0x8000, s31  }
.LBB1_3:
0x22: {  	v0 =	vmov s15;
	_ =	sdelay $0x3  }
0x23: {  	s18 =	simm.s32 $0x0  }
0x24: {  	v6 =	vld.idx.msk [tilespmem:v0+s18+$0x30 ss:$0x1], $0xffff  }
0x25: {  	v7 =	vld.idx.msk [tilespmem:v0+s18+$0xFFFFFFC0 ss:$0x1], $0xffff  }
0x26: {  	v5 =	vld.idx.msk [tilespmem:v0+s18+$0xFFFFFFD0 ss:$0x1], $0xffff  }
0x27: {  	v4 =	vld.idx.msk [tilespmem:v0+s18+$0xFFFFFFE0 ss:$0x1], $0xffff  }
0x28: {  	v3 =	vld.idx.msk [tilespmem:v0+s18+$0xFFFFFFF0 ss:$0x1], $0xffff  }
0x29: {  	v1 =	vld.idx.msk [tilespmem:v0+s18+$0x0 ss:$0x1], $0xffff  }
0x2a: {  	v2 =	vld.idx.msk [tilespmem:v0+s18+$0x10 ss:$0x1], $0xffff;
	[tilespmem:s13+$0x30] =	vst v6  }
0x2b: {  	s17 =	simm.s32 $0x80;
	s19 =	simm.s32 $0x400;
	[tilespmem:s13+$0xFFFFFFC0] =	vst v7;
	v6 =	vld.idx.msk [tilespmem:v0+s18+$0x20 ss:$0x1], $0xffff;
	s18 =	smov.u32 s13  }
.LBB1_4:
0x2c: {  	p1 =	sne.s32 s19, $0xE00;
	v7 =	vld.idx.msk [tilespmem:v0+s17+$0x30 ss:$0x1], $0xffff;
	[tilespmem:s18+$0xFFFFFFD0] =	vst v5  }
0x2d: {  	v8 =	vld.idx.msk [tilespmem:v0+s17+$0xFFFFFFC0 ss:$0x1], $0xffff;
	[tilespmem:s18+$0xFFFFFFE0] =	vst v4  }
0x2e: {  	v5 =	vld.idx.msk [tilespmem:v0+s17+$0xFFFFFFD0 ss:$0x1], $0xffff;
	[tilespmem:s18+$0xFFFFFFF0] =	vst v3  }
.Ltmp3:
0x2f: {  	v4 =	vld.idx.msk [tilespmem:v0+s17+$0xFFFFFFE0 ss:$0x1], $0xffff;
	[tilespmem:s18+$0x0] =	vst v1;
	(pc) =	sbr.rel @p1 .LBB1_4-.Ltmp3, $4  }
0x30: {  	v3 =	vld.idx.msk [tilespmem:v0+s17+$0xFFFFFFF0 ss:$0x1], $0xffff;
	[tilespmem:s18+$0x10] =	vst v2  }
0x31: {  	v1 =	vld.idx.msk [tilespmem:v0+s17+$0x0 ss:$0x1], $0xffff;
	[tilespmem:s18+$0x20] =	vst v6;
	s18 =	sadd.s32 $0x800, s18  }
0x32: {  	v2 =	vld.idx.msk [tilespmem:v0+s17+$0x10 ss:$0x1], $0xffff;
	[tilespmem:s18+$0x30] =	vst v7  }
0x33: {  	[tilespmem:s18+$0xFFFFFFC0] =	vst v8;
	v6 =	vld.idx.msk [tilespmem:v0+s17+$0x20 ss:$0x1], $0xffff;
	s17 =	sshra.s32 s19, $0x2;
	s19 =	sadd.s32 $0x200, s19  }
0x34: {  	_ =	sdelay $0x2  }
0x35: {  	[tilespmem:s18+$0xFFFFFFD0] =	vst v5  }
0x36: {  	v56 =	vld.idx.msk [tilespmem:v0+s17+$0x30 ss:$0x1], $0xffff;
	[tilespmem:s18+$0xFFFFFFE0] =	vst v4  }
0x37: {  	v57 =	vld.idx.msk [tilespmem:v0+s17+$0xFFFFFFC0 ss:$0x1], $0xffff;
	[tilespmem:s18+$0xFFFFFFF0] =	vst v3  }
0x38: {  	v58 =	vld.idx.msk [tilespmem:v0+s17+$0xFFFFFFD0 ss:$0x1], $0xffff;
	[tilespmem:s18+$0x0] =	vst v1  }
0x39: {  	v59 =	vld.idx.msk [tilespmem:v0+s17+$0xFFFFFFE0 ss:$0x1], $0xffff;
	[tilespmem:s18+$0x10] =	vst v2  }
0x3a: {  	v60 =	vld.idx.msk [tilespmem:v0+s17+$0xFFFFFFF0 ss:$0x1], $0xffff;
	s31 =	sadd.s32 $0x800, s18;
	[tilespmem:s18+$0x20] =	vst v6  }
0x3b: {  	v61 =	vld.idx.msk [tilespmem:v0+s17+$0x0 ss:$0x1], $0xffff;
	[tilespmem:s31+$0x30] =	vst v56  }
0x3c: {  	v62 =	vld.idx.msk [tilespmem:v0+s17+$0x10 ss:$0x1], $0xffff;
	s16 =	sadd.s32 $0x1, s16;
	[tilespmem:s31+$0xFFFFFFC0] =	vst v57  }
0x3d: {  	v63 =	vld.idx.msk [tilespmem:v0+s17+$0x20 ss:$0x1], $0xffff;
	p1 =	sne.s32 s16, $0x10;
	[tilespmem:s31+$0xFFFFFFD0] =	vst v58  }
.Ltmp4:
0x3e: {  	[tilespmem:s31+$0xFFFFFFE0] =	vst v59;
	(pc) =	sbr.rel @p1 .LBB1_3-.Ltmp4, $4  }
0x3f: {  	[tilespmem:s31+$0xFFFFFFF0] =	vst v60  }
0x40: {  	[tilespmem:s31+$0x0] =	vst v61  }
0x41: {  	[tilespmem:s31+$0x10] =	vst v62  }
0x42: {  	s13 =	sadd.s32 $0x80, s13;
	s15 =	sadd.s32 $0x400, s15;
	[tilespmem:s31+$0x20] =	vst v63  }
.Ltmp5:
0x43: {  	(pc) =	sbr.rel .LBB1_7-.Ltmp5, $4  }
0x44: {  	s12 =	sshll.u32 s12, $0xD;
	s11 =	sshll.u32 s11, $0x4  }
0x45: {  	s11 =	sand.u32 $0x3F0, s11;
	s12 =	sadd.s32 s2, s12  }
0x46: {  	s11 =	sadd.s32 s11, s12  }
0x47: {  	[hbm4b:s11+s6] =	stream.strided.scatter [tilespmem:s14], [sflag:$0x2], $0x4000, s7, s6, $0x38;
	[tilespmem:$0x10000] =	vst v63  }
.LBB1_8:
0x48: {  	_ =	sfence.sel $0x180000  }
0x49: {  	s2 =	simm.s32 $0x1;
	[bflag:$0x0] =	sbarrier.arrive $0xFFFF  }
0x4a: {  	s31 =	simm.s32 $0x2;
	[sflag:s2] =	ssyncpa.u1 $0x1  }
0x4b: {  	[sflag:s31] =	ssyncpa.u1 $0x1  }
0x4c: {  	p0 =	sne.s32 s1, $0x0;
	_ =	strace $0x90000047  }
0x4d: {  	s0 =	sadd.s32 @!p0 $0x100000, s0;
	[bflag:$0x2] =	sbarrier.arrive $0xFFFF  }
0x4e: {  	[sflag:s0] =	ssyncadd.tile.s32 @!p0 $0x1;
	_ =	shalt  }
.Lfunc_end1:
_tile_overlayer_lowered:
.L_overlay_start_2:
0x4f: {  	(tag) =	ssettag $0x2  }
0x50: {  	s0 =	rddreg [dreg:$0x0];
	s2 =	stileid.u32  }
0x51: {  	s1 =	rddreg [dreg:$0x1];
	p0 =	sne.s32 s2, $0x0  }
0x52: {  	s3 =	rddreg [dreg:$0x2];
	[bflag:$0x3] =	sbarrier.arrive $0xFFFF;
	s2 =	simm.s32 @!p0 $0x1C01  }
0x53: {  	[timem:s3], [sflag:s2] =	dma.local @!p0 [hbm:s0], s1  }
0x54: {  	s0 =	simm.s32 @!p0 $0x1  }
0x55: {  	_ =	swait.ge @!p0 [sflag:s0], s1  }
0x56: {  	s1 =	ssub.s32 @!p0 $0x0, s1;
	[sflag:s0] =	ssyncset.done @!p0 $0x0  }
0x57: {  	[sflag:s0] =	ssyncadd.s32 @!p0 s1  }
0x58: {  	[bflag:$0x3] =	sbarrier.arrive $0xFFFF  }
0x59: {  	_ =	shalt  }

</sc_bundles>
